<compile_context>
chip_gen: v7x
topology: tpu7x:2x2x1
jax: 0.10.2.dev20260603
libtpu: 0.0.44.dev20260713+nightly
codegen_flags: <defaults>
</compile_context>

<pallas_src>
import functools

import jax
import jax.numpy as jnp
from jax import lax
from jax.experimental import pallas as pl
from jax.experimental.pallas import tpu as pltpu
from jax.experimental.pallas import tpu_sc as plsc

_B = 16384
_HIDDEN = 36
_HPAD = 128
_NCOMBO = 192

_NC = 2
_NS = 16
_NW = _NC * _NS
_BPW = _B // _NW
_L = 16


def _fused_table_body(st_ref, dt_ref, ht_ref, w_ref, b_ref, out_ref):
    hi = jax.lax.Precision.HIGHEST
    w = w_ref[...]
    sp = jnp.dot(st_ref[...], w[0:12, :], precision=hi)
    dp = jnp.dot(dt_ref[...], w[12:20, :], precision=hi)
    hp = jnp.dot(ht_ref[...], w[20:36, :], precision=hi)

    def onehot(vals, n):
        cols = lax.broadcasted_iota(jnp.int32, (_NCOMBO, n), 1)
        return (vals == cols).astype(jnp.float32)

    rows_s = lax.broadcasted_iota(jnp.int32, (_NCOMBO, 4), 0) // 48
    rows_d = (lax.broadcasted_iota(jnp.int32, (_NCOMBO, 2), 0) // 24) % 2
    rows_h = lax.broadcasted_iota(jnp.int32, (_NCOMBO, 24), 0) % 24
    acc = (jnp.dot(onehot(rows_s, 4), sp, precision=hi)
           + jnp.dot(onehot(rows_d, 2), dp, precision=hi)
           + jnp.dot(onehot(rows_h, 24), hp, precision=hi)
           + b_ref[...])
    out_ref[...] = jnp.concatenate(
        [jnp.maximum(acc, 0.0),
         jnp.zeros((_NCOMBO, _HPAD - _HIDDEN), jnp.float32)], axis=1)


_fused_table = pl.pallas_call(
    _fused_table_body,
    out_shape=jax.ShapeDtypeStruct((_NCOMBO, _HPAD), jnp.float32),
)


@functools.cache
def _make_gather_rows():
    @functools.partial(
        pl.kernel,
        mesh=plsc.VectorSubcoreMesh(core_axis_name="c", subcore_axis_name="s"),
        out_type=jax.ShapeDtypeStruct((_B, _HPAD), jnp.float32),
        scratch_types=[
            pltpu.VMEM((_BPW,), jnp.int32),
            pltpu.VMEM((_BPW,), jnp.int32),
            pltpu.VMEM((_BPW,), jnp.int32),
            pltpu.VMEM((_BPW, _HPAD), jnp.float32),
            pltpu.SemaphoreType.DMA,
            pltpu.SemaphoreType.DMA,
            pltpu.SemaphoreType.DMA,
        ],
        compiler_params=pltpu.CompilerParams(use_tc_tiling_on_sc=True),
    )
    def _gather_rows(season_hbm, weekend_hbm, hour_hbm, table_hbm, out_hbm,
                     sv, wv, hv, rowsv, sem_i, sem_g, sem_w):
        wid = lax.axis_index("s") * _NC + lax.axis_index("c")
        base = wid * _BPW
        ci = [pltpu.async_copy(season_hbm.at[pl.ds(base, _BPW)], sv, sem_i),
              pltpu.async_copy(weekend_hbm.at[pl.ds(base, _BPW)], wv, sem_i),
              pltpu.async_copy(hour_hbm.at[pl.ds(base, _BPW)], hv, sem_i)]
        for c in ci:
            c.wait()

        def body(g, _):
            o = g * _L
            sv[pl.ds(o, _L)] = (sv[pl.ds(o, _L)] * 48 + wv[pl.ds(o, _L)] * 24
                                + hv[pl.ds(o, _L)])
            return 0

        lax.fori_loop(0, _BPW // _L, body, 0)
        pltpu.async_copy(table_hbm.at[sv], rowsv, sem_g).wait()
        pltpu.async_copy(rowsv, out_hbm.at[pl.ds(base, _BPW)], sem_w).wait()

    return _gather_rows


def kernel(season, is_weekend, hour, season_table, daytype_table, hour_table, W, b):
    table = _fused_table(season_table, daytype_table, hour_table, W,
                         b.reshape(1, _HIDDEN))
    padded = _make_gather_rows()(season.astype(jnp.int32),
                                 is_weekend.astype(jnp.int32),
                                 hour.astype(jnp.int32), table)
    return padded[:, :_HIDDEN]

# --- scband reference (transcript-rebuilt; emitter-appended) ---
"""Pipeline reference for scband-temporal-encoder-77592879169747 (READ-ONLY COPY).

The authoritative reference and input builder live on the scoring server;
editing this copy changes nothing except your own understanding.
"""

import jax, jax.numpy as jnp
import numpy as np

B = 16384
HIDDEN = 36

def setup_inputs(seed: int = 0) -> dict:
    key = jax.random.key(seed)
    ks = jax.random.split(key, 8)
    season = jax.random.randint(ks[0], (B,), 0, 4, dtype=jnp.int64 if jax.config.jax_enable_x64 else jnp.int32)
    is_weekend = jax.random.randint(ks[1], (B,), 0, 2, dtype=jnp.int32)
    hour = jax.random.randint(ks[2], (B,), 0, 24, dtype=jnp.int32)
    season_table = jax.random.normal(ks[3], (4, 12), dtype=jnp.float32)
    daytype_table = jax.random.normal(ks[4], (2, 8), dtype=jnp.float32)
    hour_table = jax.random.normal(ks[5], (24, 16), dtype=jnp.float32)
    W = jax.random.normal(ks[6], (36, HIDDEN), dtype=jnp.float32) * (1.0 / np.sqrt(36))
    b = jax.random.normal(ks[7], (HIDDEN,), dtype=jnp.float32) * 0.01
    return {"season": season, "is_weekend": is_weekend, "hour": hour,
            "season_table": season_table, "daytype_table": daytype_table,
            "hour_table": hour_table, "W": W, "b": b}

def reference(season, is_weekend, hour, season_table, daytype_table, hour_table, W, b):
    season_emb = jnp.take(season_table, season, axis=0)
    daytype_emb = jnp.take(daytype_table, is_weekend.astype(jnp.int32), axis=0)
    hour_emb = jnp.take(hour_table, hour, axis=0)
    temporal = jnp.concatenate([season_emb, daytype_emb, hour_emb], axis=-1)
    out = temporal @ W + b
    return jax.nn.relu(out)

if __name__ == "__main__":
    import jax
    _d = setup_inputs()
    print(jax.jit(kernel)(*tuple(_d.values())))

</pallas_src>

<mosaic_0001>
#map = affine_map<(d0, d1) -> (0)>
#map1 = affine_map<(d0, d1) -> (0, 0)>
module attributes {stable_mosaic.version = 14 : i64} {
  func.func @_gather_rows(%arg0: i32, %arg1: i32, %arg2: memref<16384xi32, #tpu.memory_space<hbm>>, %arg3: memref<16384xi32, #tpu.memory_space<hbm>>, %arg4: memref<16384xi32, #tpu.memory_space<hbm>>, %arg5: memref<192x128xf32, #tpu.memory_space<hbm>>, %arg6: memref<16384x128xf32, #tpu.memory_space<hbm>>, %arg7: memref<512xi32, #tpu.memory_space<vmem>>, %arg8: memref<512xi32, #tpu.memory_space<vmem>>, %arg9: memref<512xi32, #tpu.memory_space<vmem>>, %arg10: memref<512x128xf32, #tpu.memory_space<vmem>>, %arg11: memref<!tpu.dma_semaphore, #tpu.memory_space<semaphore_mem>>, %arg12: memref<!tpu.dma_semaphore, #tpu.memory_space<semaphore_mem>>, %arg13: memref<!tpu.dma_semaphore, #tpu.memory_space<semaphore_mem>>) attributes {dimension_semantics = [#tpu.dimension_semantics<core_parallel>, #tpu.dimension_semantics<subcore_parallel>], iteration_bounds = array<i64: 2, 16>, scalar_prefetch = 0 : i64, scratch_operands = 7 : i64, tpu.core_type = #tpu.core_type<sc_vector_subcore>, window_params = [{transform_indices = #map}, {transform_indices = #map}, {transform_indices = #map}, {transform_indices = #map1}, {transform_indices = #map1}]} {
    %mul3A = arith.constant 2 : i32
    %mul3A_0 = arith.muli %arg1, %mul3A : i32
    %add3A = arith.addi %mul3A_0, %arg0 : i32
    %mul3A_1 = arith.constant 512 : i32
    %mul3A_2 = arith.muli %add3A, %mul3A_1 : i32
    %dma_start3A = tpu.memref_slice %arg2[%mul3A_2] : memref<16384xi32, #tpu.memory_space<hbm>> -> memref<512xi32, #tpu.memory_space<hbm>>
    %dma_start3A_3 = tpu.memref_slice %arg2[%mul3A_2] : memref<16384xi32, #tpu.memory_space<hbm>> -> memref<512xi32, #tpu.memory_space<hbm>>
    tpu.enqueue_dma source(%dma_start3A_3 : memref<512xi32, #tpu.memory_space<hbm>>) target(%arg7 : memref<512xi32, #tpu.memory_space<vmem>>) target_semaphore(%arg11 : memref<!tpu.dma_semaphore, #tpu.memory_space<semaphore_mem>>)
    %dma_start3A_4 = tpu.memref_slice %arg3[%mul3A_2] : memref<16384xi32, #tpu.memory_space<hbm>> -> memref<512xi32, #tpu.memory_space<hbm>>
    %dma_start3A_5 = tpu.memref_slice %arg3[%mul3A_2] : memref<16384xi32, #tpu.memory_space<hbm>> -> memref<512xi32, #tpu.memory_space<hbm>>
    tpu.enqueue_dma source(%dma_start3A_5 : memref<512xi32, #tpu.memory_space<hbm>>) target(%arg8 : memref<512xi32, #tpu.memory_space<vmem>>) target_semaphore(%arg11 : memref<!tpu.dma_semaphore, #tpu.memory_space<semaphore_mem>>)
    %dma_start3A_6 = tpu.memref_slice %arg4[%mul3A_2] : memref<16384xi32, #tpu.memory_space<hbm>> -> memref<512xi32, #tpu.memory_space<hbm>>
    %dma_start3A_7 = tpu.memref_slice %arg4[%mul3A_2] : memref<16384xi32, #tpu.memory_space<hbm>> -> memref<512xi32, #tpu.memory_space<hbm>>
    tpu.enqueue_dma source(%dma_start3A_7 : memref<512xi32, #tpu.memory_space<hbm>>) target(%arg9 : memref<512xi32, #tpu.memory_space<vmem>>) target_semaphore(%arg11 : memref<!tpu.dma_semaphore, #tpu.memory_space<semaphore_mem>>)
    %dma_wait3A = tpu.memref_slice %arg2[%mul3A_2] : memref<16384xi32, #tpu.memory_space<hbm>> -> memref<512xi32, #tpu.memory_space<hbm>>
    %dma_wait3A_8 = tpu.memref_slice %arg2[%mul3A_2] : memref<16384xi32, #tpu.memory_space<hbm>> -> memref<512xi32, #tpu.memory_space<hbm>>
    tpu.wait_dma2 semaphore(%arg11 : memref<!tpu.dma_semaphore, #tpu.memory_space<semaphore_mem>>) src(%dma_wait3A_8 : memref<512xi32, #tpu.memory_space<hbm>>) dst(%arg7 : memref<512xi32, #tpu.memory_space<vmem>>)
    %dma_wait3A_9 = tpu.memref_slice %arg3[%mul3A_2] : memref<16384xi32, #tpu.memory_space<hbm>> -> memref<512xi32, #tpu.memory_space<hbm>>
    %dma_wait3A_10 = tpu.memref_slice %arg3[%mul3A_2] : memref<16384xi32, #tpu.memory_space<hbm>> -> memref<512xi32, #tpu.memory_space<hbm>>
    tpu.wait_dma2 semaphore(%arg11 : memref<!tpu.dma_semaphore, #tpu.memory_space<semaphore_mem>>) src(%dma_wait3A_10 : memref<512xi32, #tpu.memory_space<hbm>>) dst(%arg8 : memref<512xi32, #tpu.memory_space<vmem>>)
    %dma_wait3A_11 = tpu.memref_slice %arg4[%mul3A_2] : memref<16384xi32, #tpu.memory_space<hbm>> -> memref<512xi32, #tpu.memory_space<hbm>>
    %dma_wait3A_12 = tpu.memref_slice %arg4[%mul3A_2] : memref<16384xi32, #tpu.memory_space<hbm>> -> memref<512xi32, #tpu.memory_space<hbm>>
    tpu.wait_dma2 semaphore(%arg11 : memref<!tpu.dma_semaphore, #tpu.memory_space<semaphore_mem>>) src(%dma_wait3A_12 : memref<512xi32, #tpu.memory_space<hbm>>) dst(%arg9 : memref<512xi32, #tpu.memory_space<vmem>>)
    %scan3A = arith.constant 0 : i32
    %scan3A_13 = arith.constant 0 : i32
    %scan3A_14 = arith.constant 32 : i32
    %scan3A_15 = arith.addi %scan3A_13, %scan3A_14 : i32
    %scan3A_16 = arith.constant 1 : i32
    %scan3A_17 = scf.for %scan3A_33 = %scan3A_13 to %scan3A_15 step %scan3A_16 iter_args(%scan3A_34 = %scan3A) -> (i32)  : i32 {
      %mul3A_35 = arith.constant 16 : i32
      %mul3A_36 = arith.muli %scan3A_33, %mul3A_35 : i32
      %get3A = arith.index_cast %mul3A_36 : i32 to index
      %get3A_37 = tpu.vector_load %arg7[%get3A] {strides = array<i32>} : memref<512xi32, #tpu.memory_space<vmem>>, vector<16xi32>,
      %get3A_38 = vector.shape_cast %get3A_37 : vector<16xi32> to vector<16xi32>
      %mul3A_39 = arith.constant 48 : i32
      %mul3A_40 = vector.broadcast %mul3A_39 : i32 to vector<16xi32>
      %mul3A_41 = arith.muli %get3A_38, %mul3A_40 : vector<16xi32>
      %get3A_42 = arith.index_cast %mul3A_36 : i32 to index
      %get3A_43 = tpu.vector_load %arg8[%get3A_42] {strides = array<i32>} : memref<512xi32, #tpu.memory_space<vmem>>, vector<16xi32>,
      %get3A_44 = vector.shape_cast %get3A_43 : vector<16xi32> to vector<16xi32>
      %mul3A_45 = arith.constant 24 : i32
      %mul3A_46 = vector.broadcast %mul3A_45 : i32 to vector<16xi32>
      %mul3A_47 = arith.muli %get3A_44, %mul3A_46 : vector<16xi32>
      %add3A_48 = arith.addi %mul3A_41, %mul3A_47 : vector<16xi32>
      %get3A_49 = arith.index_cast %mul3A_36 : i32 to index
      %get3A_50 = tpu.vector_load %arg9[%get3A_49] {strides = array<i32>} : memref<512xi32, #tpu.memory_space<vmem>>, vector<16xi32>,
      %get3A_51 = vector.shape_cast %get3A_50 : vector<16xi32> to vector<16xi32>
      %add3A_52 = arith.addi %add3A_48, %get3A_51 : vector<16xi32>
      %swap3A = arith.index_cast %mul3A_36 : i32 to index
      %swap3A_53 = tpu.vector_load %arg7[%swap3A] {strides = array<i32>} : memref<512xi32, #tpu.memory_space<vmem>>, vector<16xi32>,
      %swap3A_54 = vector.shape_cast %swap3A_53 : vector<16xi32> to vector<16xi32>
      %swap3A_55 = vector.shape_cast %add3A_52 : vector<16xi32> to vector<16xi32>
      tpu.vector_store %arg7[%swap3A], %swap3A_55 {strides = array<i32>} : memref<512xi32, #tpu.memory_space<vmem>>, vector<16xi32>,
      %scan3A_56 = arith.constant 0 : i32
      scf.yield %scan3A_56 : i32
    }
    %scan3A_18 = arith.constant 32 : i32
    %dma_start3A_19 = arith.constant 0 : i32
    %dma_start3A_20 = arith.constant 0 : i32
    %dma_start3A_21 = tpu.memref_slice %arg5[%dma_start3A_19, %dma_start3A_20] : memref<192x128xf32, #tpu.memory_space<hbm>> -> memref<192x128xf32, #tpu.memory_space<hbm>>
    tpu.enqueue_indirect_dma source(%dma_start3A_21 : memref<192x128xf32, #tpu.memory_space<hbm>>) target(%arg10 : memref<512x128xf32, #tpu.memory_space<vmem>>) offsets(%arg7 : memref<512xi32, #tpu.memory_space<vmem>>) semaphore(%arg12 : memref<!tpu.dma_semaphore, #tpu.memory_space<semaphore_mem>>)
    %dma_wait3A_22 = arith.constant 0 : i32
    %dma_wait3A_23 = arith.constant 0 : i32
    %dma_wait3A_24 = tpu.memref_slice %arg5[%dma_wait3A_22, %dma_wait3A_23] : memref<192x128xf32, #tpu.memory_space<hbm>> -> memref<192x128xf32, #tpu.memory_space<hbm>>
    tpu.wait_indirect_dma semaphore(%arg12 : memref<!tpu.dma_semaphore, #tpu.memory_space<semaphore_mem>>) src(%dma_wait3A_24 : memref<192x128xf32, #tpu.memory_space<hbm>>) dst(%arg10 : memref<512x128xf32, #tpu.memory_space<vmem>>)
    %dma_start3A_25 = arith.constant 0 : i32
    %dma_start3A_26 = tpu.memref_slice %arg6[%mul3A_2, %dma_start3A_25] : memref<16384x128xf32, #tpu.memory_space<hbm>> -> memref<512x128xf32, #tpu.memory_space<hbm>>
    %dma_start3A_27 = arith.constant 0 : i32
    %dma_start3A_28 = tpu.memref_slice %arg6[%mul3A_2, %dma_start3A_27] : memref<16384x128xf32, #tpu.memory_space<hbm>> -> memref<512x128xf32, #tpu.memory_space<hbm>>
    tpu.enqueue_dma source(%arg10 : memref<512x128xf32, #tpu.memory_space<vmem>>) target(%dma_start3A_28 : memref<512x128xf32, #tpu.memory_space<hbm>>) target_semaphore(%arg13 : memref<!tpu.dma_semaphore, #tpu.memory_space<semaphore_mem>>)
    %dma_wait3A_29 = arith.constant 0 : i32
    %dma_wait3A_30 = tpu.memref_slice %arg6[%mul3A_2, %dma_wait3A_29] : memref<16384x128xf32, #tpu.memory_space<hbm>> -> memref<512x128xf32, #tpu.memory_space<hbm>>
    %dma_wait3A_31 = arith.constant 0 : i32
    %dma_wait3A_32 = tpu.memref_slice %arg6[%mul3A_2, %dma_wait3A_31] : memref<16384x128xf32, #tpu.memory_space<hbm>> -> memref<512x128xf32, #tpu.memory_space<hbm>>
    tpu.wait_dma2 semaphore(%arg13 : memref<!tpu.dma_semaphore, #tpu.memory_space<semaphore_mem>>) src(%arg10 : memref<512x128xf32, #tpu.memory_space<vmem>>) dst(%dma_wait3A_32 : memref<512x128xf32, #tpu.memory_space<hbm>>)
    return
  }
}

module attributes {stable_mosaic.version = 14 : i64} {
  func.func @_fused_table_body(%arg0: memref<4x12xf32, #tpu.memory_space<vmem>>, %arg1: memref<2x8xf32, #tpu.memory_space<vmem>>, %arg2: memref<24x16xf32, #tpu.memory_space<vmem>>, %arg3: memref<36x36xf32, #tpu.memory_space<vmem>>, %arg4: memref<1x36xf32, #tpu.memory_space<vmem>>, %arg5: memref<192x128xf32, #tpu.memory_space<vmem>>) attributes {dimension_semantics = [], scalar_prefetch = 0 : i64, scratch_operands = 0 : i64, tpu.core_type = #tpu.core_type<tc>} {
    %get3A = arith.constant 0 : index
    %get3A_0 = arith.constant 0 : index
    %get3A_1 = vector.load %arg3[%get3A, %get3A_0] : memref<36x36xf32, #tpu.memory_space<vmem>>, vector<36x36xf32>
    %get3A_2 = arith.constant 0 : index
    %get3A_3 = arith.constant 0 : index
    %get3A_4 = vector.load %arg0[%get3A_2, %get3A_3] : memref<4x12xf32, #tpu.memory_space<vmem>>, vector<4x12xf32>
    %slice3A = vector.extract_strided_slice %get3A_1 {offsets = [0, 0], sizes = [12, 36], strides = [1, 1]} : vector<36x36xf32> to vector<12x36xf32>
    %dot_general3A = arith.constant dense<0.000000e+00> : vector<4x36xf32>
    %dot_general3A_5 = tpu.matmul %get3A_4, %slice3A, %dot_general3A {dimension_numbers = #tpu.dot_dimension_numbers<[1], [0], [0], [1], [0, 0, 1, 1], [], []>, precision = #tpu.contract_precision<fp32>, transpose_lhs_hint = false} : vector<4x12xf32>, vector<12x36xf32>, vector<4x36xf32> -> vector<4x36xf32>
    %get3A_6 = arith.constant 0 : index
    %get3A_7 = arith.constant 0 : index
    %get3A_8 = vector.load %arg1[%get3A_6, %get3A_7] : memref<2x8xf32, #tpu.memory_space<vmem>>, vector<2x8xf32>
    %slice3A_9 = vector.extract_strided_slice %get3A_1 {offsets = [12, 0], sizes = [8, 36], strides = [1, 1]} : vector<36x36xf32> to vector<8x36xf32>
    %dot_general3A_10 = arith.constant dense<0.000000e+00> : vector<2x36xf32>
    %dot_general3A_11 = tpu.matmul %get3A_8, %slice3A_9, %dot_general3A_10 {dimension_numbers = #tpu.dot_dimension_numbers<[1], [0], [0], [1], [0, 0, 1, 1], [], []>, precision = #tpu.contract_precision<fp32>, transpose_lhs_hint = false} : vector<2x8xf32>, vector<8x36xf32>, vector<2x36xf32> -> vector<2x36xf32>
    %get3A_12 = arith.constant 0 : index
    %get3A_13 = arith.constant 0 : index
    %get3A_14 = vector.load %arg2[%get3A_12, %get3A_13] : memref<24x16xf32, #tpu.memory_space<vmem>>, vector<24x16xf32>
    %slice3A_15 = vector.extract_strided_slice %get3A_1 {offsets = [20, 0], sizes = [16, 36], strides = [1, 1]} : vector<36x36xf32> to vector<16x36xf32>
    %dot_general3A_16 = arith.constant dense<0.000000e+00> : vector<24x36xf32>
    %dot_general3A_17 = tpu.matmul %get3A_14, %slice3A_15, %dot_general3A_16 {dimension_numbers = #tpu.dot_dimension_numbers<[1], [0], [0], [1], [0, 0, 1, 1], [], []>, precision = #tpu.contract_precision<fp32>, transpose_lhs_hint = false} : vector<24x16xf32>, vector<16x36xf32>, vector<24x36xf32> -> vector<24x36xf32>
    %iota3A = tpu.iota {dimensions = array<i32: 0>} : vector<192x4xi32>
    %jit3A = arith.constant 48 : i32
    %div3A = vector.broadcast %jit3A : i32 to vector<192x4xi32>
    %div3A_18 = arith.divsi %iota3A, %div3A : vector<192x4xi32>
    %sign3A = arith.constant 0 : i32
    %sign3A_19 = vector.broadcast %sign3A : i32 to vector<192x4xi32>
    %sign3A_20 = arith.cmpi sgt, %iota3A, %sign3A_19 : vector<192x4xi32>
    %sign3A_21 = arith.extui %sign3A_20 : vector<192x4xi1> to vector<192x4xi32>
    %sign3A_22 = arith.constant 0 : i32
    %sign3A_23 = vector.broadcast %sign3A_22 : i32 to vector<192x4xi32>
    %sign3A_24 = arith.cmpi slt, %iota3A, %sign3A_23 : vector<192x4xi32>
    %sign3A_25 = arith.extui %sign3A_24 : vector<192x4xi1> to vector<192x4xi32>
    %sign3A_26 = arith.subi %sign3A_21, %sign3A_25 : vector<192x4xi32>
    %sign3A_27 = arith.constant 0 : i32
    %sign3A_28 = arith.cmpi sgt, %jit3A, %sign3A_27 : i32
    %sign3A_29 = arith.extui %sign3A_28 : i1 to i32
    %sign3A_30 = arith.constant 0 : i32
    %sign3A_31 = arith.cmpi slt, %jit3A, %sign3A_30 : i32
    %sign3A_32 = arith.extui %sign3A_31 : i1 to i32
    %sign3A_33 = arith.subi %sign3A_29, %sign3A_32 : i32
    %ne3A = vector.broadcast %sign3A_33 : i32 to vector<192x4xi32>
    %ne3A_34 = arith.cmpi ne, %sign3A_26, %ne3A : vector<192x4xi32>
    %rem3A = vector.broadcast %jit3A : i32 to vector<192x4xi32>
    %rem3A_35 = arith.remsi %iota3A, %rem3A : vector<192x4xi32>
    %ne3A_36 = arith.constant 0 : i32
    %ne3A_37 = vector.broadcast %ne3A_36 : i32 to vector<192x4xi32>
    %ne3A_38 = arith.cmpi ne, %rem3A_35, %ne3A_37 : vector<192x4xi32>
    %and3A = arith.andi %ne3A_34, %ne3A_38 : vector<192x4xi1>
    %sub3A = arith.constant 1 : i32
    %sub3A_39 = vector.broadcast %sub3A : i32 to vector<192x4xi32>
    %sub3A_40 = arith.subi %div3A_18, %sub3A_39 : vector<192x4xi32>
    %select_n3A = arith.select %and3A, %sub3A_40, %div3A_18 : vector<192x4xi1>, vector<192x4xi32>
    %iota3A_41 = tpu.iota {dimensions = array<i32: 0>} : vector<192x2xi32>
    %jit3A_42 = arith.constant 24 : i32
    %div3A_43 = vector.broadcast %jit3A_42 : i32 to vector<192x2xi32>
    %div3A_44 = arith.divsi %iota3A_41, %div3A_43 : vector<192x2xi32>
    %sign3A_45 = arith.constant 0 : i32
    %sign3A_46 = vector.broadcast %sign3A_45 : i32 to vector<192x2xi32>
    %sign3A_47 = arith.cmpi sgt, %iota3A_41, %sign3A_46 : vector<192x2xi32>
    %sign3A_48 = arith.extui %sign3A_47 : vector<192x2xi1> to vector<192x2xi32>
    %sign3A_49 = arith.constant 0 : i32
    %sign3A_50 = vector.broadcast %sign3A_49 : i32 to vector<192x2xi32>
    %sign3A_51 = arith.cmpi slt, %iota3A_41, %sign3A_50 : vector<192x2xi32>
    %sign3A_52 = arith.extui %sign3A_51 : vector<192x2xi1> to vector<192x2xi32>
    %sign3A_53 = arith.subi %sign3A_48, %sign3A_52 : vector<192x2xi32>
    %sign3A_54 = arith.constant 0 : i32
    %sign3A_55 = arith.cmpi sgt, %jit3A_42, %sign3A_54 : i32
    %sign3A_56 = arith.extui %sign3A_55 : i1 to i32
    %sign3A_57 = arith.constant 0 : i32
    %sign3A_58 = arith.cmpi slt, %jit3A_42, %sign3A_57 : i32
    %sign3A_59 = arith.extui %sign3A_58 : i1 to i32
    %sign3A_60 = arith.subi %sign3A_56, %sign3A_59 : i32
    %ne3A_61 = vector.broadcast %sign3A_60 : i32 to vector<192x2xi32>
    %ne3A_62 = arith.cmpi ne, %sign3A_53, %ne3A_61 : vector<192x2xi32>
    %rem3A_63 = vector.broadcast %jit3A_42 : i32 to vector<192x2xi32>
    %rem3A_64 = arith.remsi %iota3A_41, %rem3A_63 : vector<192x2xi32>
    %ne3A_65 = arith.constant 0 : i32
    %ne3A_66 = vector.broadcast %ne3A_65 : i32 to vector<192x2xi32>
    %ne3A_67 = arith.cmpi ne, %rem3A_64, %ne3A_66 : vector<192x2xi32>
    %and3A_68 = arith.andi %ne3A_62, %ne3A_67 : vector<192x2xi1>
    %sub3A_69 = arith.constant 1 : i32
    %sub3A_70 = vector.broadcast %sub3A_69 : i32 to vector<192x2xi32>
    %sub3A_71 = arith.subi %div3A_44, %sub3A_70 : vector<192x2xi32>
    %select_n3A_72 = arith.select %and3A_68, %sub3A_71, %div3A_44 : vector<192x2xi1>, vector<192x2xi32>
    %jit3A_73 = arith.constant 2 : i32
    %eq3A = arith.constant 0 : i32
    %eq3A_74 = arith.cmpi eq, %jit3A_73, %eq3A : i32
    %jit3A_75 = arith.constant 1 : i32
    %select_n3A_76 = arith.select %eq3A_74, %jit3A_75, %jit3A_73 : i32
    %rem3A_77 = vector.broadcast %select_n3A_76 : i32 to vector<192x2xi32>
    %rem3A_78 = arith.remsi %select_n3A_72, %rem3A_77 : vector<192x2xi32>
    %ne3A_79 = arith.constant 0 : i32
    %ne3A_80 = vector.broadcast %ne3A_79 : i32 to vector<192x2xi32>
    %ne3A_81 = arith.cmpi ne, %rem3A_78, %ne3A_80 : vector<192x2xi32>
    %lt3A = arith.constant 0 : i32
    %lt3A_82 = vector.broadcast %lt3A : i32 to vector<192x2xi32>
    %lt3A_83 = arith.cmpi slt, %rem3A_78, %lt3A_82 : vector<192x2xi32>
    %lt3A_84 = arith.constant 0 : i32
    %lt3A_85 = arith.cmpi slt, %select_n3A_76, %lt3A_84 : i32
    %ne3A_86 = vector.broadcast %lt3A_85 : i1 to vector<192x2xi1>
    %ne3A_87 = vector.broadcast %ne3A_86 : vector<192x2xi1> to vector<192x2xi1>
    %ne3A_88 = arith.xori %lt3A_83, %ne3A_87 : vector<192x2xi1>
    %and3A_89 = arith.andi %ne3A_88, %ne3A_81 : vector<192x2xi1>
    %add3A = vector.broadcast %select_n3A_76 : i32 to vector<192x2xi32>
    %add3A_90 = arith.addi %rem3A_78, %add3A : vector<192x2xi32>
    %select_n3A_91 = arith.select %and3A_89, %add3A_90, %rem3A_78 : vector<192x2xi1>, vector<192x2xi32>
    %iota3A_92 = tpu.iota {dimensions = array<i32: 0>} : vector<192x24xi32>
    %jit3A_93 = arith.constant 24 : i32
    %eq3A_94 = arith.constant 0 : i32
    %eq3A_95 = arith.cmpi eq, %jit3A_93, %eq3A_94 : i32
    %jit3A_96 = arith.constant 1 : i32
    %select_n3A_97 = arith.select %eq3A_95, %jit3A_96, %jit3A_93 : i32
    %rem3A_98 = vector.broadcast %select_n3A_97 : i32 to vector<192x24xi32>
    %rem3A_99 = arith.remsi %iota3A_92, %rem3A_98 : vector<192x24xi32>
    %ne3A_100 = arith.constant 0 : i32
    %ne3A_101 = vector.broadcast %ne3A_100 : i32 to vector<192x24xi32>
    %ne3A_102 = arith.cmpi ne, %rem3A_99, %ne3A_101 : vector<192x24xi32>
    %lt3A_103 = arith.constant 0 : i32
    %lt3A_104 = vector.broadcast %lt3A_103 : i32 to vector<192x24xi32>
    %lt3A_105 = arith.cmpi slt, %rem3A_99, %lt3A_104 : vector<192x24xi32>
    %lt3A_106 = arith.constant 0 : i32
    %lt3A_107 = arith.cmpi slt, %select_n3A_97, %lt3A_106 : i32
    %ne3A_108 = vector.broadcast %lt3A_107 : i1 to vector<192x24xi1>
    %ne3A_109 = vector.broadcast %ne3A_108 : vector<192x24xi1> to vector<192x24xi1>
    %ne3A_110 = arith.xori %lt3A_105, %ne3A_109 : vector<192x24xi1>
    %and3A_111 = arith.andi %ne3A_110, %ne3A_102 : vector<192x24xi1>
    %add3A_112 = vector.broadcast %select_n3A_97 : i32 to vector<192x24xi32>
    %add3A_113 = arith.addi %rem3A_99, %add3A_112 : vector<192x24xi32>
    %select_n3A_114 = arith.select %and3A_111, %add3A_113, %rem3A_99 : vector<192x24xi1>, vector<192x24xi32>
    %iota3A_115 = tpu.iota {dimensions = array<i32: 1>} : vector<192x4xi32>
    %eq3A_116 = arith.cmpi eq, %select_n3A, %iota3A_115 : vector<192x4xi32>
    %convert_element_type3A = arith.extui %eq3A_116 : vector<192x4xi1> to vector<192x4xi32>
    %convert_element_type3A_117 = arith.sitofp %convert_element_type3A : vector<192x4xi32> to vector<192x4xf32>
    %dot_general3A_118 = arith.constant dense<0.000000e+00> : vector<192x36xf32>
    %dot_general3A_119 = tpu.matmul %convert_element_type3A_117, %dot_general3A_5, %dot_general3A_118 {dimension_numbers = #tpu.dot_dimension_numbers<[1], [0], [0], [1], [0, 0, 1, 1], [], []>, precision = #tpu.contract_precision<fp32>, transpose_lhs_hint = false} : vector<192x4xf32>, vector<4x36xf32>, vector<192x36xf32> -> vector<192x36xf32>
    %iota3A_120 = tpu.iota {dimensions = array<i32: 1>} : vector<192x2xi32>
    %eq3A_121 = arith.cmpi eq, %select_n3A_91, %iota3A_120 : vector<192x2xi32>
    %convert_element_type3A_122 = arith.extui %eq3A_121 : vector<192x2xi1> to vector<192x2xi32>
    %convert_element_type3A_123 = arith.sitofp %convert_element_type3A_122 : vector<192x2xi32> to vector<192x2xf32>
    %dot_general3A_124 = arith.constant dense<0.000000e+00> : vector<192x36xf32>
    %dot_general3A_125 = tpu.matmul %convert_element_type3A_123, %dot_general3A_11, %dot_general3A_124 {dimension_numbers = #tpu.dot_dimension_numbers<[1], [0], [0], [1], [0, 0, 1, 1], [], []>, precision = #tpu.contract_precision<fp32>, transpose_lhs_hint = false} : vector<192x2xf32>, vector<2x36xf32>, vector<192x36xf32> -> vector<192x36xf32>
    %add3A_126 = arith.addf %dot_general3A_119, %dot_general3A_125 : vector<192x36xf32>
    %iota3A_127 = tpu.iota {dimensions = array<i32: 1>} : vector<192x24xi32>
    %eq3A_128 = arith.cmpi eq, %select_n3A_114, %iota3A_127 : vector<192x24xi32>
    %convert_element_type3A_129 = arith.extui %eq3A_128 : vector<192x24xi1> to vector<192x24xi32>
    %convert_element_type3A_130 = arith.sitofp %convert_element_type3A_129 : vector<192x24xi32> to vector<192x24xf32>
    %dot_general3A_131 = arith.constant dense<0.000000e+00> : vector<192x36xf32>
    %dot_general3A_132 = tpu.matmul %convert_element_type3A_130, %dot_general3A_17, %dot_general3A_131 {dimension_numbers = #tpu.dot_dimension_numbers<[1], [0], [0], [1], [0, 0, 1, 1], [], []>, precision = #tpu.contract_precision<fp32>, transpose_lhs_hint = false} : vector<192x24xf32>, vector<24x36xf32>, vector<192x36xf32> -> vector<192x36xf32>
    %add3A_133 = arith.addf %add3A_126, %dot_general3A_132 : vector<192x36xf32>
    %get3A_134 = arith.constant 0 : index
    %get3A_135 = arith.constant 0 : index
    %get3A_136 = vector.load %arg4[%get3A_134, %get3A_135] : memref<1x36xf32, #tpu.memory_space<vmem>>, vector<1x36xf32>
    %add3A_137 = vector.broadcast %get3A_136 : vector<1x36xf32> to vector<192x36xf32>
    %add3A_138 = arith.addf %add3A_133, %add3A_137 : vector<192x36xf32>
    %max3A = arith.constant 0.000000e+00 : f32
    %max3A_139 = vector.broadcast %max3A : f32 to vector<192x36xf32>
    %max3A_140 = arith.maximumf %add3A_138, %max3A_139 : vector<192x36xf32>
    %broadcast_in_dim3A = arith.constant 0.000000e+00 : f32
    %broadcast_in_dim3A_141 = vector.broadcast %broadcast_in_dim3A : f32 to vector<192x92xf32>
    %concatenate3A = tpu.concatenate %max3A_140, %broadcast_in_dim3A_141 in 1 : vector<192x36xf32>, vector<192x92xf32> -> vector<192x128xf32>
    %swap3A = arith.constant 0 : index
    %swap3A_142 = arith.constant 0 : index
    %swap3A_143 = vector.load %arg5[%swap3A, %swap3A_142] : memref<192x128xf32, #tpu.memory_space<vmem>>, vector<192x128xf32>
    tpu.vector_store %arg5[%swap3A, %swap3A_142], %concatenate3A {strides = array<i32>} : memref<192x128xf32, #tpu.memory_space<vmem>>, vector<192x128xf32>,
    return
  }
}

</mosaic_0001>

<sc_bundles>
// kernel: kernel.4.cloned.1.call-start
scs
__scs_entry_jumppad:
0x0: {  	(pc) =	sbr.rel $0x88, $3  }
0x1: {  	(tag) =	ssettag $0x0;
	lr =	simm.s32 $0x1  }
0x2: {  	[smem:$0x3F99] =	sst lr;
	_ =	strace $0xD0000000  }
0x3: {  	_ = 	snop  }
0x4: {  	_ = 	snop  }
0x5: {  	_ = 	snop  }
0x6: {  	_ = 	snop  }
0x7: {  	_ = 	snop  }
__scs_overlays_trampoline_lowered:
0x8: {  	[smem:$0x3FA8] =	sst s0  }
0x9: {  	[smem:$0x3FA9] =	sst s1  }
0xa: {  	[smem:$0x3FAA] =	sst s2  }
0xb: {  	[smem:$0x3FAB] =	sst s3  }
0xc: {  	[smem:$0x3FAC] =	sst s4  }
0xd: {  	[smem:$0x3FAD] =	sst s5  }
0xe: {  	[smem:$0x3FAE] =	sst s6  }
0xf: {  	[smem:$0x3FAF] =	sst s7  }
0x10: {  	[smem:$0x3FB0] =	sst s8  }
0x11: {  	[smem:$0x3FB1] =	sst s9;
	s0 =	simm.s32 @!p0 $0x0  }
0x12: {  	s1 =	sld [smem:$0x3F97];
	s0 =	simm.s32 @p0 $0x1  }
0x13: {  	[smem:$0x3FB2] =	sst s0;
	s0 =	simm.s32 @!p1 $0x0  }
0x14: {  	s2 =	sld [smem:$0x3F96];
	s0 =	simm.s32 @p1 $0x1  }
0x15: {  	[smem:$0x3FB3] =	sst s0;
	s0 =	simm.s32 @!p2 $0x0  }
0x16: {  	s3 =	sld [smem:$0x3FDB];
	s0 =	simm.s32 @p2 $0x1  }
0x17: {  	s4 =	simm.s32 $0x1BF5;
	[smem:$0x3FB5] =	sst s0  }
0x18: {  	s0 =	sld [smem:$0x3F98];
	_ =	swait.ge [sflag:s4], $0x0  }
0x19: {  	s7 =	sld [smem:$0x3F99]  }
0x1a: {  	s8 =	sadd.s32 $0xFFFFE003, lr  }
0x1b: {  	s9 =	sadd.s32 $0xFFFFFEF7, lr;
	s5 =	simm.s32 $0xFFFFFFFF;
	p2 =	slt.u32 s8, $0xFFFFF086  }
0x1c: {  	p1 =	slt.u32 s9, $0xF7A;
	s5 =	simm.s32 @!p2 $0x0  }
0x1d: {  	s5 =	simm.s32 @p1 $0x1;
	p0 =	seq.s32 s7, s2  }
0x1e: {  	s7 =	smul.u32 @!p0 $0xF7A, s2;
	p2 =	seq.s32 @!p0 s5, $0x0  }
0x1f: {  	s9 =	smul.u32 $0xF7A, s1;
	s8 =	simm.s32 @!p0 $0x1BF5;
	p2 =	por !p2, p0  }
0x20: {  	[sflag:s8] =	ssyncset.s32 @!p0 $0xFFFFF086;
	s6 =	sadd.s32 @!p0 s3, s7;
	s7 =	simm.s32 @!p0 $0x108  }
0x21: {  	s3 =	sadd.s32 s3, s9;
	s6 =	sadd.s32 @!p0 $0x88, s6;
	s7 =	simm.s32 @p2 $0x1082  }
0x22: {  	[simem:s7], [sflag:s8] =	dma.local @!p0 [hbm:s6], $0xF7A  }
0x23: {  	s9 =	sor.u32 $0xD0000000, s2;
	s6 =	simm.s32 $0x108;
	_ =	swait.ge @!p0 [sflag:s8], $0x0  }
0x24: {  	s3 =	sadd.s32 $0x88, s3;
	s6 =	simm.s32 @!p1 $0x1082;
	[sflag:s4] =	ssyncset.s32 $0xFFFFF086  }
0x25: {  	[simem:s6], [sflag:s4] =	dma.local [hbm:s3], $0xF7A  }
0x26: {  	[smem:$0x3F99] =	sst s1;
	(tag) =	ssettag s2;
	_ =	strace s9  }
0x27: {  	s1 =	sld [smem:$0x3FA9]  }
0x28: {  	s2 =	sld [smem:$0x3FAA]  }
0x29: {  	s4 =	sld [smem:$0x3FAC]  }
0x2a: {  	p0 =	seq.s32 s5, $0x0;
	s5 =	sld [smem:$0x3FAD]  }
0x2b: {  	s6 =	sld [smem:$0x3FAE]  }
0x2c: {  	s7 =	sld [smem:$0x3FAF]  }
0x2d: {  	s3 =	simm.s32 $0x108;
	s8 =	sld [smem:$0x3FB0]  }
0x2e: {  	s3 =	simm.s32 @!p0 $0x1082;
	s9 =	sld [smem:$0x3FB1]  }
0x2f: {  	lr =	sadd.s32 s0, s3;
	s0 =	sld [smem:$0x3FA8]  }
0x30: {  	s3 =	sld [smem:$0x3FAB]  }
0x31: {  	[smem:$0x3FB4] =	sst s10  }
0x32: {  	s10 =	sld [smem:$0x3FB2];
	_ =	sdelay $0x3  }
0x33: {  	p0 =	seq.s32 s10, $0x1;
	s10 =	sld [smem:$0x3FB4];
	_ =	sdelay $0x3  }
0x34: {  	[smem:$0x3FB4] =	sst s10  }
0x35: {  	s10 =	sld [smem:$0x3FB3];
	_ =	sdelay $0x3  }
0x36: {  	p1 =	seq.s32 s10, $0x1;
	s10 =	sld [smem:$0x3FB4];
	_ =	sdelay $0x3  }
0x37: {  	[smem:$0x3FB4] =	sst s10  }
0x38: {  	s10 =	sld [smem:$0x3FB5]  }
0x39: {  	_ = 	snop;
	(pc) =	sbr.ind lr, $3  }
0x3a: {  	_ = 	snop  }
0x3b: {  	_ = 	snop  }
0x3c: {  	p2 =	seq.s32 s10, $0x1;
	s10 =	sld [smem:$0x3FB4]  }
0x3d: {  	_ =	shalt  }
0x3e: {  	_ =	shalt  }
0x3f: {  	_ =	shalt  }
0x40: {  	_ =	shalt  }
0x41: {  	_ =	shalt  }
0x42: {  	_ =	shalt  }
0x43: {  	_ =	shalt  }
0x44: {  	_ =	shalt  }
0x45: {  	_ =	shalt  }
0x46: {  	_ =	shalt  }
0x47: {  	_ =	shalt  }
0x48: {  	_ =	shalt  }
0x49: {  	_ =	shalt  }
0x4a: {  	_ =	shalt  }
0x4b: {  	_ =	shalt  }
0x4c: {  	_ =	shalt  }
0x4d: {  	_ =	shalt  }
0x4e: {  	_ =	shalt  }
0x4f: {  	_ =	shalt  }
0x50: {  	_ =	shalt  }
0x51: {  	_ =	shalt  }
0x52: {  	_ =	shalt  }
0x53: {  	_ =	shalt  }
0x54: {  	_ =	shalt  }
0x55: {  	_ =	shalt  }
0x56: {  	_ =	shalt  }
0x57: {  	_ =	shalt  }
0x58: {  	_ =	shalt  }
0x59: {  	_ =	shalt  }
0x5a: {  	_ =	shalt  }
0x5b: {  	_ =	shalt  }
0x5c: {  	_ =	shalt  }
0x5d: {  	_ =	shalt  }
0x5e: {  	_ =	shalt  }
0x5f: {  	_ =	shalt  }
0x60: {  	_ =	shalt  }
0x61: {  	_ =	shalt  }
0x62: {  	_ =	shalt  }
0x63: {  	_ =	shalt  }
0x64: {  	_ =	shalt  }
0x65: {  	_ =	shalt  }
0x66: {  	_ =	shalt  }
0x67: {  	_ =	shalt  }
0x68: {  	_ =	shalt  }
0x69: {  	_ =	shalt  }
0x6a: {  	_ =	shalt  }
0x6b: {  	_ =	shalt  }
0x6c: {  	_ =	shalt  }
0x6d: {  	_ =	shalt  }
0x6e: {  	_ =	shalt  }
0x6f: {  	_ =	shalt  }
0x70: {  	_ =	shalt  }
0x71: {  	_ =	shalt  }
0x72: {  	_ =	shalt  }
0x73: {  	_ =	shalt  }
0x74: {  	_ =	shalt  }
0x75: {  	_ =	shalt  }
0x76: {  	_ =	shalt  }
0x77: {  	_ =	shalt  }
0x78: {  	_ =	shalt  }
0x79: {  	_ =	shalt  }
0x7a: {  	_ =	shalt  }
0x7b: {  	_ =	shalt  }
0x7c: {  	_ =	shalt  }
0x7d: {  	_ =	shalt  }
0x7e: {  	_ =	shalt  }
0x7f: {  	_ =	shalt  }
0x80: {  	_ =	shalt  }
0x81: {  	_ =	shalt  }
0x82: {  	_ =	shalt  }
0x83: {  	_ =	shalt  }
0x84: {  	_ =	shalt  }
0x85: {  	_ =	shalt  }
0x86: {  	_ =	shalt  }
0x87: {  	_ =	shalt  }
.Lfunc_end0:
.L_simem_size_0:
called_computation_lowered:
.L_overlay_start_0:
0x88: {  	s2 =	sld [smem:$0x3FD9]  }
0x89: {  	s3 =	sld [smem:$0x3FFE];
	_ =	sdelay $0x1  }
0x8a: {  	s1 =	srdreg.scid  }
0x8b: {  	s0 =	sand.u32 $0x1, s1  }
0x8c: {  	s17 =	sshll.u32 s0, $0xA;
	s2 =	sadd.s32 s3, s2  }
0x8d: {  	s2 =	sadd.s32 s2, s17  }
0x8e: {  	[smem:$0x3FC0] =	sst s2  }
0x8f: {  	_ = 	snop  }
0x90: {  	s2 =	sld [smem:$0x3FC9]  }
0x91: {  	s18 =	sld [smem:$0x3FC8]  }
0x92: {  	s4 =	sld [smem:$0x3FC7]  }
0x93: {  	s5 =	sld [smem:$0x3FD0];
	(tm) =	ssettm $0x1  }
0x94: {  	s6 =	sld [smem:$0x3FFB];
	_ =	sdelay $0x3  }
0x95: {  	_ =	strace s6  }
0x96: {  	s6 =	sld [smem:$0x3FFC];
	_ =	sdelay $0x3  }
0x97: {  	_ =	strace s6  }
0x98: {  	s6 =	sld [smem:$0x3FFD];
	_ =	sdelay $0x3  }
0x99: {  	_ =	strace s6  }
0x9a: {  	_ =	strace $0x8FFFFFFF  }
0x9b: {  	s19 =	sld [smem:$0x3FDB];
	_ =	sdelay $0x1  }
0x9c: {  	s7 =	simm.s32 $_scs_section_size  }
0x9d: {  	s8 =	simm.s32 $_size__tile_overlayer_lowered;
	s9 =	simm.s32 $_tile_overlayer_lowered  }
0x9e: {  	s22 =	simm.s32 $0x1BFF;
	s21 =	sshll.u32 s9, $0x1;
	s6 =	sadd.s32 s7, s19  }
0x9f: {  	s10 =	simm.s32 $0x0;
	s20 =	sshll.u32 s8, $0x1;
	s8 =	sadd.s32 s21, s6  }
0xa0: {  	[timem:s10], [sflag:s22] =	dma.local [hbm:s8], s20  }
0xa1: {  	_ =	swait.ge [sflag:s22], s20  }
0xa2: {  	s7 =	ssub.s32 $0x0, s20;
	[sflag:s22] =	ssyncset.done $0x0  }
0xa3: {  	[sflag:s22] =	ssyncadd.s32 s7;
	_ =	sdelay $0x1  }
0xa4: {  	s23 =	simm.s32 $0x1B8B  }
0xa5: {  	_ =	swait.ge [sflag:s23], $0x1  }
0xa6: {  	[sflag:s23] =	ssyncset.done $0x0  }
0xa7: {  	s25 =	simm.s32 $0x1B8E;
	s24 =	sld [smem:$0x3FFE];
	[sflag:s23] =	ssyncadd.s32 $0xFFFFFFFF  }
0xa8: {  	s26 =	simm.s32 $execute0_lowered;
	[smem:$0x3FD2] =	sst s25  }
0xa9: {  	s8 =	sshll.u32 s26, $0x1;
	_ =	strace $0x80000046;
	[dreg:$0x1] =	wrdreg $0xFFFFFFFF  }
0xaa: {  	s28 =	simm.s32 $_size_execute0_lowered;
	s6 =	sadd.s32 s6, s8;
	[dreg:$0x0] =	wrdreg $0x0  }
0xab: {  	s8 =	sshll.u32 s28, $0x1;
	[dreg:$0x2] =	wrdreg s6  }
0xac: {  	[dreg:$0x3] =	wrdreg s8  }
0xad: {  	[dreg:$0x4] =	wrdreg $0xC0  }
0xae: {  	_ =	task [dreg:s10], $0x5FFFF  }
0xaf: {  	[dreg:$0x1] =	wrdreg $0xFFFFFFFF  }
0xb0: {  	[dreg:$0x0] =	wrdreg $0x60  }
0xb1: {  	[dreg:$0x2] =	wrdreg s2  }
0xb2: {  	[dreg:$0x3] =	wrdreg s18  }
0xb3: {  	[dreg:$0x4] =	wrdreg s4  }
0xb4: {  	[dreg:$0x5] =	wrdreg s5  }
0xb5: {  	[dreg:$0x6] =	wrdreg s24  }
0xb6: {  	[dreg:$0x7] =	wrdreg $0x9  }
0xb7: {  	_ =	task.clear_ibuf [dreg:s10], $0x8FFFF;
	_ =	strace $0x90000046  }
0xb8: {  	s29 =	simm.s32 $0x9;
	_ =	strace $0x80000048  }
0xb9: {  	_ =	swait.ge [sflag:s29], $0x1  }
0xba: {  	[sflag:s29] =	ssyncadd.s32 $0xFFFFFFFF  }
0xbb: {  	_ =	strace $0x90000048  }
0xbc: {  	_ =	sfence  }
0xbd: {  	s30 =	sld [smem:$0x0];
	_ =	sdelay $0x2  }
0xbe: {  	s31 =	sshll.u32 s1, $0xD;
	s1 =	sshrl.u32 s1, $0x2  }
0xbf: {  	s3 =	sand.u32 $0x4000, s31;
	s1 =	sadd.s32 s1, s30  }
0xc0: {  	s0 =	sor.u32 s3, s0;
	s1 =	sshll.u32 s1, $0x11  }
0xc1: {  	s0 =	sor.u32 s1, s0  }
0xc2: {  	s0 =	sadd.s32 $0x8F2B, s0  }
0xc3: {  	[sflag:s0] =	ssyncadd.remote.s32 $0x1  }
0xc4: {  	_ =	sfence.sel $0xFFFF  }
0xc5: {  	[dreg:$0x0] =	wrdreg $0xFFFFFFFF;
	(pc) =	sbr.abs _section_cstart, $3  }
0xc6: {  	[dreg:$0x1] =	wrdreg $0xFFFFFFFF  }
0xc7: {  	_ =	task.clear_ibuf [dreg:s10], $0x2FFFF;
	_ =	strace $0x9FFFFFFF  }
0xc8: {  	(tm) =	ssettm $0x7FFFFFFF  }
0xc9: {  	_ =	shalt  }
tec
execute0_lowered:
.L_overlay_start_1:
0x0: {  	(tag) =	ssettag $0x1  }
0x1: {  	s4 =	rddreg [dreg:$0x0]  }
0x2: {  	s5 =	rddreg [dreg:$0x1]  }
0x3: {  	s6 =	rddreg [dreg:$0x2]  }
0x4: {  	s2 =	rddreg [dreg:$0x3]  }
0x5: {  	s7 =	rddreg [dreg:$0x4];
	s3 =	srdreg.scid  }
0x6: {  	s0 =	rddreg [dreg:$0x5];
	s1 =	stileid.u32;
	s12 =	simm.s32 $0x600  }
0x7: {  	s13 =	simm.s32 $0x2;
	s14 =	simm.s32 $0x3;
	s15 =	simm.s32 $0x0  }
0x8: {  	s8 =	sand.u32 $0x1, s3;
	s3 =	simm.s32 $0x0;
	s9 =	sshll.u32 s1, $0xA  }
0x9: {  	s10 =	sshll.u32 s8, $0x9;
	[smem:$0x7FF] =	sst s3;
	s8 =	ssub.s32 $0x2, s8  }
0xa: {  	s9 =	sor.u32 s10, s9;
	_ =	strace $0x80000047;
	s11 =	sshrl.u32 s8, $0x1  }
0xb: {  	s10 =	sshll.u32 s9, $0x4;
	s8 =	ssub.s32 s8, s11;
	s9 =	sshrl.u32 s9, $0x3  }
0xc: {  	s11 =	simm.s32 $0x1;
	s7 =	sadd.s32 s10, s7;
	s4 =	sadd.s32 s4, s9  }
0xd: {  	s5 =	sadd.s32 s5, s9;
	s6 =	sadd.s32 s6, s9;
	s8 =	smax.u32 s8, $0x1  }
0xe: {  	s9 =	simm.s32 $0x200;
	s10 =	simm.s32 $0x400;
	s7 =	sadd.s32 $0xE00, s7  }
.LBB2_1:
0xf: {  	[tilespmem:s3], [sflag:$0x1] =	stream.linear.gather [hbm4b:s4+s3], $0x200, $0x38;
	[tilespmem:$0x10600] =	vst v63  }
0x10: {  	_ = 	snop  }
0x11: {  	[tilespmem:s9], [sflag:$0x1] =	stream.linear.gather [hbm4b:s5+s3], $0x200, $0x38;
	[tilespmem:$0x10600] =	vst v63  }
0x12: {  	_ = 	snop  }
0x13: {  	[tilespmem:s10], [sflag:$0x1] =	stream.linear.gather [hbm4b:s6+s3], $0x200, $0x38;
	[tilespmem:$0x10600] =	vst v63  }
0x14: {  	_ =	swait.ge [sflag:s11], $0x200  }
0x15: {  	[sflag:s11] =	ssyncset.done $0x0  }
0x16: {  	[sflag:s11] =	ssyncadd.s32 $0xFFFFFE00  }
0x17: {  	_ =	swait.ge [sflag:s11], $0x200  }
0x18: {  	[sflag:s11] =	ssyncset.done $0x0  }
0x19: {  	[sflag:s11] =	ssyncadd.s32 $0xFFFFFE00  }
0x1a: {  	_ =	swait.ge [sflag:s11], $0x200  }
0x1b: {  	[sflag:s11] =	ssyncset.done $0x0  }
0x1c: {  	s16 =	simm.s32 $0x0;
	[sflag:s11] =	ssyncadd.s32 $0xFFFFFE00  }
0x1d: {  	s17 =	simm.s32 $0x40;
	v0 =	vld [tilespmem:s16+$0x200]  }
.LBB2_2:
0x1e: {  	p0 =	sne.s32 s17, $0x7C0;
	v1 =	vld [tilespmem:s16+$0x0];
	_ =	sdelay $0x2  }
0x1f: {  	v2 =	vld [tilespmem:s16+$0x400];
	_ =	sdelay $0x1  }
.Ltmp0:
0x20: {  	v0 =	vmul.u32 $0x18, v0;
	v1 =	vmul.u32 $0x30, v1;
	(pc) =	sbr.rel @p0 .LBB2_2-.Ltmp0, $4  }
0x21: {  	_ = 	snop  }
0x22: {  	v0 =	vadd.s32 v1, v0  }
0x23: {  	s18 =	sshra.s32 s17, $0x2;
	v1 =	vadd.s32 v2, v0  }
0x24: {  	s17 =	sadd.s32 $0x40, s17;
	v0 =	vld [tilespmem:s18+$0x200];
	[tilespmem:s16+$0x0] =	vst v1;
	s16 =	smov.u32 s18  }
0x25: {  	v1 =	vld [tilespmem:s16+$0x0];
	_ =	sdelay $0x2  }
0x26: {  	v2 =	vld [tilespmem:s16+$0x400];
	_ =	sdelay $0x1  }
0x27: {  	v0 =	vmul.u32 $0x18, v0;
	v1 =	vmul.u32 $0x30, v1;
	_ =	sdelay $0x1  }
0x28: {  	v0 =	vadd.s32 v1, v0  }
0x29: {  	v0 =	vadd.s32 v2, v0  }
0x2a: {  	[tilespmem:s16+$0x0] =	vst v0  }
0x2b: {  	[tilespmem:s12], [sflag:$0x2] =	stream.indirect.gather [hbm4b:s2+s9], $0x80, s3, s9, $0xb8;
	[tilespmem:$0x10600] =	vst v63  }
0x2c: {  	s15 =	sadd.s32 $0x1, s15;
	_ =	swait.ge [sflag:s13], $0x10000  }
0x2d: {  	p0 =	sne.s32 s15, s8;
	[sflag:s13] =	ssyncset.done $0x0  }
.Ltmp1:
0x2e: {  	[sflag:s13] =	ssyncadd.s32 $0xFFFF0000;
	(pc) =	sbr.rel @p0 .LBB2_1-.Ltmp1, $4  }
0x2f: {  	[hbm4b:s7+s3] =	stream.linear.scatter [tilespmem:s12], [sflag:$0x3], $0x10000, $0x38;
	[tilespmem:$0x10600] =	vst v63  }
0x30: {  	_ =	swait.ge [sflag:s14], $0x10000  }
0x31: {  	[sflag:s14] =	ssyncset.done $0x0  }
0x32: {  	[sflag:s14] =	ssyncadd.s32 $0xFFFF0000  }
0x33: {  	_ =	sfence.sel $0x180000  }
0x34: {  	[bflag:$0x0] =	sbarrier.arrive $0xFFFF  }
0x35: {  	p0 =	sne.s32 s1, $0x0;
	_ =	strace $0x90000047  }
0x36: {  	s0 =	sadd.s32 @!p0 $0x100000, s0;
	[bflag:$0x2] =	sbarrier.arrive $0xFFFF  }
0x37: {  	[sflag:s0] =	ssyncadd.tile.s32 @!p0 $0x1;
	_ =	shalt  }
.Lfunc_end2:
_tile_overlayer_lowered:
.L_overlay_start_2:
0x38: {  	(tag) =	ssettag $0x2  }
0x39: {  	s0 =	rddreg [dreg:$0x0];
	s2 =	stileid.u32  }
0x3a: {  	s1 =	rddreg [dreg:$0x1];
	p0 =	sne.s32 s2, $0x0  }
0x3b: {  	s3 =	rddreg [dreg:$0x2];
	[bflag:$0x3] =	sbarrier.arrive $0xFFFF;
	s2 =	simm.s32 @!p0 $0x1C04  }
0x3c: {  	[timem:s3], [sflag:s2] =	dma.local @!p0 [hbm:s0], s1  }
0x3d: {  	s0 =	simm.s32 @!p0 $0x4  }
0x3e: {  	_ =	swait.ge @!p0 [sflag:s0], s1  }
0x3f: {  	s1 =	ssub.s32 @!p0 $0x0, s1;
	[sflag:s0] =	ssyncset.done @!p0 $0x0  }
0x40: {  	[sflag:s0] =	ssyncadd.s32 @!p0 s1  }
0x41: {  	[bflag:$0x3] =	sbarrier.arrive $0xFFFF  }
0x42: {  	_ =	shalt  }

</sc_bundles>
